<compile_context>
chip_gen: v7x
topology: tpu7x:2x2x1
jax: 0.10.2.dev20260603
libtpu: 0.0.44.dev20260713+nightly
codegen_flags: <defaults>
</compile_context>

<pallas_src>
import functools

import jax
import jax.numpy as jnp
from jax import lax
from jax.experimental import pallas as pl
from jax.experimental.pallas import tpu as pltpu
from jax.experimental.pallas import tpu_sc as plsc

B, S, H, A, K = 2048, 512, 256, 128, 1024
BB = 512
NBLK = B // BB

NC, NS = 2, 16
NW = NC * NS
BPW = B // NW
KPT = K // NS
LANES = 16

_CONTRACT_MINOR = (((1,), (1,)), ((), ()))


def _encoder_body(x_ref, wf_ref, bf_ref, w0_ref, b0_ref, w1_ref, b1_ref,
                  emb_ref, wact_ref, bact_ref, wval_ref, bval_ref,
                  idx_ref, probs_ref, norms_ref):
    i = pl.program_id(0)

    @pl.when(i == 0)
    def _():
        sq = emb_ref[...] * emb_ref[...]
        norms_ref[...] = lax.dot_general(
            jnp.ones((1, H), jnp.float32), sq, _CONTRACT_MINOR,
            preferred_element_type=jnp.float32)
        logits = lax.dot_general(emb_ref[...], wact_ref[...], _CONTRACT_MINOR,
                                 preferred_element_type=jnp.float32) + bact_ref[...]
        m = jnp.max(logits, axis=1, keepdims=True)
        e = jnp.exp(logits - m)
        probs_ref[...] = e / jnp.sum(e, axis=1, keepdims=True)

    h = jnp.maximum(
        lax.dot_general(x_ref[...], wf_ref[...], _CONTRACT_MINOR,
                        preferred_element_type=jnp.float32) + bf_ref[...], 0.0)
    h = jnp.maximum(
        lax.dot_general(h, w0_ref[...], _CONTRACT_MINOR,
                        preferred_element_type=jnp.float32) + b0_ref[...], 0.0)
    h = jnp.maximum(
        lax.dot_general(h, w1_ref[...], _CONTRACT_MINOR,
                        preferred_element_type=jnp.float32) + b1_ref[...], 0.0)
    scores_m2 = lax.dot_general(h * -2.0, emb_ref[...], _CONTRACT_MINOR,
                                preferred_element_type=jnp.float32)
    d2 = (jnp.sum(h * h, axis=1, keepdims=True) + scores_m2
          + norms_ref[...])
    G = K // 128
    m = d2[:, 0:128]
    for g in range(1, G):
        m = jnp.minimum(m, d2[:, g * 128:(g + 1) * 128])
    mins = jnp.min(m, axis=1, keepdims=True)
    ids128 = lax.broadcasted_iota(jnp.int32, (BB, 128), 1)
    cand = jnp.full((BB, 128), K, jnp.int32)
    for g in range(G):
        cand = jnp.minimum(
            cand, jnp.where(d2[:, g * 128:(g + 1) * 128] == mins,
                            ids128 + g * 128, K))
    idx = jnp.min(cand, axis=1)
    idx_ref[...] = idx.reshape(1, 1, BB)


_encoder_call = pl.pallas_call(
    _encoder_body,
    grid=(NBLK,),
    in_specs=[
        pl.BlockSpec((BB, S), lambda i: (i, 0)),
        pl.BlockSpec((H, S), lambda i: (0, 0)),
        pl.BlockSpec((1, H), lambda i: (0, 0)),
        pl.BlockSpec((H, H), lambda i: (0, 0)),
        pl.BlockSpec((1, H), lambda i: (0, 0)),
        pl.BlockSpec((H, H), lambda i: (0, 0)),
        pl.BlockSpec((1, H), lambda i: (0, 0)),
        pl.BlockSpec((K, H), lambda i: (0, 0)),
        pl.BlockSpec((A, H), lambda i: (0, 0)),
        pl.BlockSpec((1, A), lambda i: (0, 0)),
        pl.BlockSpec((1, H), lambda i: (0, 0)),
        pl.BlockSpec((1, 1), lambda i: (0, 0)),
    ],
    out_specs=[
        pl.BlockSpec((1, 1, BB), lambda i: (i, 0, 0)),
        pl.BlockSpec((K, A), lambda i: (0, 0)),
    ],
    out_shape=[
        jax.ShapeDtypeStruct((NBLK, 1, BB), jnp.int32),
        jax.ShapeDtypeStruct((K, A), jnp.float32),
    ],
    scratch_shapes=[
        pltpu.VMEM((1, K), jnp.float32),
    ],
)


def _value_body(idx_ref, emb_ref, wval_ref, bval_ref, val_ref, vrow_ref):
    i = pl.program_id(0)

    @pl.when(i == 0)
    def _():
        vrow_ref[...] = lax.dot_general(
            wval_ref[...], emb_ref[...], _CONTRACT_MINOR,
            preferred_element_type=jnp.float32) + bval_ref[...]

    idx = idx_ref[...].reshape(BB, 1)
    ids = lax.broadcasted_iota(jnp.int32, (BB, K), 1)
    vsel = jnp.where(ids == idx, vrow_ref[...], 0.0)
    val_ref[...] = jnp.sum(vsel, axis=1).reshape(1, 1, BB)


_value_call = pl.pallas_call(
    _value_body,
    grid=(NBLK,),
    in_specs=[
        pl.BlockSpec((1, 1, BB), lambda i: (i, 0, 0)),
        pl.BlockSpec((K, H), lambda i: (0, 0)),
        pl.BlockSpec((1, H), lambda i: (0, 0)),
        pl.BlockSpec((1, 1), lambda i: (0, 0)),
    ],
    out_specs=[pl.BlockSpec((1, 1, BB), lambda i: (i, 0, 0))],
    out_shape=[jax.ShapeDtypeStruct((NBLK, 1, BB), jnp.float32)],
    scratch_shapes=[pltpu.VMEM((1, K), jnp.float32)],
)


@functools.cache
def _make_sc_gather():
    @functools.partial(
        pl.kernel,
        mesh=plsc.VectorSubcoreMesh(core_axis_name="c", subcore_axis_name="s"),
        out_type=jax.ShapeDtypeStruct((B, A), jnp.float32),
        scratch_types=[
            pltpu.VMEM((BPW,), jnp.int32),
            pltpu.VMEM((BPW, A), jnp.float32),
            pltpu.VMEM_SHARED((K, A), jnp.float32),
            pltpu.SemaphoreType.DMA,
            pltpu.SemaphoreType.DMA,
        ],
    )
    def _sc_gather(table_hbm, idx_hbm, ap_hbm,
                   idx_v, rows_v, table_sp, sem, sem2):
        cid = lax.axis_index("c")
        sid = lax.axis_index("s")
        wid = sid * NC + cid
        base = wid * BPW
        stage = pltpu.async_copy(table_hbm.at[pl.ds(sid * KPT, KPT)],
                                 table_sp.at[pl.ds(sid * KPT, KPT)], sem)
        pltpu.async_copy(idx_hbm.at[pl.ds(base, BPW)], idx_v, sem2).wait()
        stage.wait()
        plsc.subcore_barrier()
        pltpu.async_copy(table_sp.at[idx_v], rows_v, sem).wait()
        pltpu.sync_copy(rows_v, ap_hbm.at[pl.ds(base, BPW)])

    return _sc_gather


def kernel(inputs, W_first, b_first, W0, b0, W1, b1, W_act, b_act,
           W_val, b_val, embedding):
    idx3, probs_table = _encoder_call(
        inputs,
        W_first, b_first.reshape(1, H),
        W0, b0.reshape(1, H),
        W1, b1.reshape(1, H),
        embedding,
        W_act, b_act.reshape(1, A),
        W_val, b_val.reshape(1, 1),
    )
    actions_prob = _make_sc_gather()(probs_table, idx3.reshape(B))
    val3, = _value_call(idx3, embedding, W_val, b_val.reshape(1, 1))
    return (actions_prob, val3.reshape(B, 1))

# --- scband reference (transcript-rebuilt; emitter-appended) ---
"""Pipeline reference for scband-original-model-83296595739311 (READ-ONLY COPY).

The authoritative reference and input builder live on the scoring server;
editing this copy changes nothing except your own understanding.
"""

import jax, jax.numpy as jnp
import numpy as np

B, S, H, A, K = 2048, 512, 256, 128, 1024
TEMPERATURE = 1.0


def _linear_params(k, out_d, in_d):
    bound = 1.0 / np.sqrt(in_d)
    kw, kb = jax.random.split(k)
    W = jax.random.uniform(kw, (out_d, in_d), jnp.float32, -bound, bound)
    b = jax.random.uniform(kb, (out_d,), jnp.float32, -bound, bound)
    return W, b


def setup_inputs(seed: int = 0) -> dict:
    key = jax.random.key(seed)
    ks = jax.random.split(key, 8)
    inputs = jax.random.normal(ks[0], (B, S), jnp.float32)
    W_first, b_first = _linear_params(ks[1], H, S)
    W0, b0 = _linear_params(ks[2], H, H)
    W1, b1 = _linear_params(ks[3], H, H)
    W_act, b_act = _linear_params(ks[4], A, H)
    W_val, b_val = _linear_params(ks[5], 1, H)
    embedding = jax.random.normal(ks[6], (K, H), jnp.float32)
    return {
        'inputs': inputs,
        'W_first': W_first, 'b_first': b_first,
        'W0': W0, 'b0': b0,
        'W1': W1, 'b1': b1,
        'W_act': W_act, 'b_act': b_act,
        'W_val': W_val, 'b_val': b_val,
        'embedding': embedding,
    }


def reference(inputs, W_first, b_first, W0, b0, W1, b1, W_act, b_act, W_val, b_val, embedding):
    # vq_encoder: fc_first + relu, then num_layers fc+relu
    x = jax.nn.relu(inputs @ W_first.T + b_first)
    x = jax.nn.relu(x @ W0.T + b0)
    x = jax.nn.relu(x @ W1.T + b1)
    # vector = x.detach(); nearest-codebook lookup (same math as
    # (vector[:,None,:]-emb[None]).pow(2).sum(-1).argmin(-1), factored to avoid
    # materializing the [B,K,H] broadcast)
    vector = jax.lax.stop_gradient(x)
    d2 = (jnp.sum(vector * vector, axis=1, keepdims=True)
          - 2.0 * (vector @ embedding.T)
          + jnp.sum(embedding * embedding, axis=1)[None, :])
    embedding_idx = jnp.argmin(d2, axis=-1)
    # straight-through quantization: quantize = x + (embedding[idx] - vector)
    quantize = x + (jnp.take(embedding, embedding_idx, axis=0) - vector)
    # heads
    actions_outputs = quantize @ W_act.T + b_act
    actions_prob = jax.nn.softmax(actions_outputs / TEMPERATURE, axis=-1)
    value = quantize @ W_val.T + b_val
    # torch returns (Categorical(actions_prob), value); we return the probs tensor
    return (actions_prob, value)

if __name__ == "__main__":
    import jax
    _d = setup_inputs()
    print(jax.jit(kernel)(*tuple(_d.values())))

</pallas_src>

<mosaic_0001>
#map = affine_map<(d0, d1) -> (0, 0)>
#map1 = affine_map<(d0, d1) -> (0)>
module attributes {stable_mosaic.version = 14 : i64} {
  func.func @_sc_gather(%arg0: i32, %arg1: i32, %arg2: memref<1024x128xf32, #tpu.memory_space<hbm>>, %arg3: memref<2048xi32, #tpu.memory_space<hbm>>, %arg4: memref<2048x128xf32, #tpu.memory_space<hbm>>, %arg5: memref<64xi32, #tpu.memory_space<vmem>>, %arg6: memref<64x128xf32, #tpu.memory_space<vmem>>, %arg7: memref<1024x128xf32, #tpu.memory_space<vmem_shared>>, %arg8: memref<!tpu.dma_semaphore, #tpu.memory_space<semaphore_mem>>, %arg9: memref<!tpu.dma_semaphore, #tpu.memory_space<semaphore_mem>>) attributes {dimension_semantics = [#tpu.dimension_semantics<core_parallel>, #tpu.dimension_semantics<subcore_parallel>], iteration_bounds = array<i64: 2, 16>, scalar_prefetch = 0 : i64, scratch_operands = 5 : i64, tpu.core_type = #tpu.core_type<sc_vector_subcore>, window_params = [{transform_indices = #map}, {transform_indices = #map1}, {transform_indices = #map}]} {
    %mul3A = arith.constant 2 : i32
    %mul3A_0 = arith.muli %arg1, %mul3A : i32
    %add3A = arith.addi %mul3A_0, %arg0 : i32
    %mul3A_1 = arith.constant 64 : i32
    %mul3A_2 = arith.muli %add3A, %mul3A_1 : i32
    %mul3A_3 = arith.constant 64 : i32
    %mul3A_4 = arith.muli %arg1, %mul3A_3 : i32
    %mul3A_5 = arith.constant 64 : i32
    %mul3A_6 = arith.muli %arg1, %mul3A_5 : i32
    %dma_start3A = arith.constant 0 : i32
    %dma_start3A_7 = tpu.memref_slice %arg7[%mul3A_6, %dma_start3A] : memref<1024x128xf32, #tpu.memory_space<vmem_shared>> -> memref<64x128xf32, #tpu.memory_space<vmem_shared>>
    %dma_start3A_8 = arith.constant 0 : i32
    %dma_start3A_9 = tpu.memref_slice %arg2[%mul3A_4, %dma_start3A_8] : memref<1024x128xf32, #tpu.memory_space<hbm>> -> memref<64x128xf32, #tpu.memory_space<hbm>>
    tpu.enqueue_dma source(%dma_start3A_9 : memref<64x128xf32, #tpu.memory_space<hbm>>) target(%dma_start3A_7 : memref<64x128xf32, #tpu.memory_space<vmem_shared>>) target_semaphore(%arg8 : memref<!tpu.dma_semaphore, #tpu.memory_space<semaphore_mem>>)
    %dma_start3A_10 = tpu.memref_slice %arg3[%mul3A_2] : memref<2048xi32, #tpu.memory_space<hbm>> -> memref<64xi32, #tpu.memory_space<hbm>>
    %dma_start3A_11 = tpu.memref_slice %arg3[%mul3A_2] : memref<2048xi32, #tpu.memory_space<hbm>> -> memref<64xi32, #tpu.memory_space<hbm>>
    tpu.enqueue_dma source(%dma_start3A_11 : memref<64xi32, #tpu.memory_space<hbm>>) target(%arg5 : memref<64xi32, #tpu.memory_space<vmem>>) target_semaphore(%arg9 : memref<!tpu.dma_semaphore, #tpu.memory_space<semaphore_mem>>)
    %dma_wait3A = tpu.memref_slice %arg3[%mul3A_2] : memref<2048xi32, #tpu.memory_space<hbm>> -> memref<64xi32, #tpu.memory_space<hbm>>
    %dma_wait3A_12 = tpu.memref_slice %arg3[%mul3A_2] : memref<2048xi32, #tpu.memory_space<hbm>> -> memref<64xi32, #tpu.memory_space<hbm>>
    tpu.wait_dma2 semaphore(%arg9 : memref<!tpu.dma_semaphore, #tpu.memory_space<semaphore_mem>>) src(%dma_wait3A_12 : memref<64xi32, #tpu.memory_space<hbm>>) dst(%arg5 : memref<64xi32, #tpu.memory_space<vmem>>)
    %dma_wait3A_13 = arith.constant 0 : i32
    %dma_wait3A_14 = tpu.memref_slice %arg7[%mul3A_6, %dma_wait3A_13] : memref<1024x128xf32, #tpu.memory_space<vmem_shared>> -> memref<64x128xf32, #tpu.memory_space<vmem_shared>>
    %dma_wait3A_15 = arith.constant 0 : i32
    %dma_wait3A_16 = tpu.memref_slice %arg2[%mul3A_4, %dma_wait3A_15] : memref<1024x128xf32, #tpu.memory_space<hbm>> -> memref<64x128xf32, #tpu.memory_space<hbm>>
    tpu.wait_dma2 semaphore(%arg8 : memref<!tpu.dma_semaphore, #tpu.memory_space<semaphore_mem>>) src(%dma_wait3A_16 : memref<64x128xf32, #tpu.memory_space<hbm>>) dst(%dma_wait3A_14 : memref<64x128xf32, #tpu.memory_space<vmem_shared>>)
    %barrier3A = arith.constant 0 : index
    tpu.barrier barrier_id(%barrier3A)
    %dma_start3A_17 = arith.constant 0 : i32
    %dma_start3A_18 = arith.constant 0 : i32
    %dma_start3A_19 = tpu.memref_slice %arg7[%dma_start3A_17, %dma_start3A_18] : memref<1024x128xf32, #tpu.memory_space<vmem_shared>> -> memref<1024x128xf32, #tpu.memory_space<vmem_shared>>
    tpu.enqueue_indirect_dma source(%dma_start3A_19 : memref<1024x128xf32, #tpu.memory_space<vmem_shared>>) target(%arg6 : memref<64x128xf32, #tpu.memory_space<vmem>>) offsets(%arg5 : memref<64xi32, #tpu.memory_space<vmem>>) semaphore(%arg8 : memref<!tpu.dma_semaphore, #tpu.memory_space<semaphore_mem>>)
    %dma_wait3A_20 = arith.constant 0 : i32
    %dma_wait3A_21 = arith.constant 0 : i32
    %dma_wait3A_22 = tpu.memref_slice %arg7[%dma_wait3A_20, %dma_wait3A_21] : memref<1024x128xf32, #tpu.memory_space<vmem_shared>> -> memref<1024x128xf32, #tpu.memory_space<vmem_shared>>
    tpu.wait_indirect_dma semaphore(%arg8 : memref<!tpu.dma_semaphore, #tpu.memory_space<semaphore_mem>>) src(%dma_wait3A_22 : memref<1024x128xf32, #tpu.memory_space<vmem_shared>>) dst(%arg6 : memref<64x128xf32, #tpu.memory_space<vmem>>)
    "tpu.region"() ({
      %run_scoped3A = tpu.sem_alloc : memref<!tpu.dma_semaphore, #tpu.memory_space<semaphore_mem>>
      %dma_start3A_23 = arith.constant 0 : i32
      %dma_start3A_24 = tpu.memref_slice %arg4[%mul3A_2, %dma_start3A_23] : memref<2048x128xf32, #tpu.memory_space<hbm>> -> memref<64x128xf32, #tpu.memory_space<hbm>>
      %dma_start3A_25 = arith.constant 0 : i32
      %dma_start3A_26 = tpu.memref_slice %arg4[%mul3A_2, %dma_start3A_25] : memref<2048x128xf32, #tpu.memory_space<hbm>> -> memref<64x128xf32, #tpu.memory_space<hbm>>
      tpu.enqueue_dma source(%arg6 : memref<64x128xf32, #tpu.memory_space<vmem>>) target(%dma_start3A_26 : memref<64x128xf32, #tpu.memory_space<hbm>>) target_semaphore(%run_scoped3A : memref<!tpu.dma_semaphore, #tpu.memory_space<semaphore_mem>>)
      %dma_wait3A_27 = arith.constant 0 : i32
      %dma_wait3A_28 = tpu.memref_slice %arg4[%mul3A_2, %dma_wait3A_27] : memref<2048x128xf32, #tpu.memory_space<hbm>> -> memref<64x128xf32, #tpu.memory_space<hbm>>
      %dma_wait3A_29 = arith.constant 0 : i32
      %dma_wait3A_30 = tpu.memref_slice %arg4[%mul3A_2, %dma_wait3A_29] : memref<2048x128xf32, #tpu.memory_space<hbm>> -> memref<64x128xf32, #tpu.memory_space<hbm>>
      tpu.wait_dma2 semaphore(%run_scoped3A : memref<!tpu.dma_semaphore, #tpu.memory_space<semaphore_mem>>) src(%arg6 : memref<64x128xf32, #tpu.memory_space<vmem>>) dst(%dma_wait3A_30 : memref<64x128xf32, #tpu.memory_space<hbm>>)
      tpu.yield
    }) : () -> ()
    return
  }
}

module attributes {stable_mosaic.version = 14 : i64} {
  func.func @_value_body(%arg0: i32, %arg1: memref<1x1x512xi32, #tpu.memory_space<vmem>>, %arg2: memref<1024x256xf32, #tpu.memory_space<vmem>>, %arg3: memref<1x256xf32, #tpu.memory_space<vmem>>, %arg4: memref<1x1xf32, #tpu.memory_space<vmem>>, %arg5: memref<1x1x512xf32, #tpu.memory_space<vmem>>, %arg6: memref<1x1024xf32, #tpu.memory_space<vmem>>) attributes {dimension_semantics = [#tpu.dimension_semantics<arbitrary>], iteration_bounds = array<i64: 4>, scalar_prefetch = 0 : i64, scratch_operands = 1 : i64, tpu.core_type = #tpu.core_type<tc>, window_params = [{transform_indices = @transform_0, window_bounds = array<i64: 1, 1, 512>}, {pipeline_mode = #tpu.pipeline_mode<synchronous>, transform_indices = @transform_1, window_bounds = array<i64: 1024, 256>}, {pipeline_mode = #tpu.pipeline_mode<synchronous>, transform_indices = @transform_2, window_bounds = array<i64: 1, 256>}, {pipeline_mode = #tpu.pipeline_mode<synchronous>, transform_indices = @transform_3, window_bounds = array<i64: 1, 1>}, {transform_indices = @transform_4, window_bounds = array<i64: 1, 1, 512>}]} {
    %eq3A = arith.constant 0 : i32
    %eq3A_0 = arith.cmpi eq, %arg0, %eq3A : i32
    %convert_element_type3A = arith.extui %eq3A_0 : i1 to i32
    %cond3A = arith.constant 0 : i32
    %cond3A_1 = arith.cmpi ne, %convert_element_type3A, %cond3A : i32
    scf.if %cond3A_1 {
      %get3A_17 = arith.constant 0 : index
      %get3A_18 = arith.constant 0 : index
      %get3A_19 = vector.load %arg3[%get3A_17, %get3A_18] : memref<1x256xf32, #tpu.memory_space<vmem>>, vector<1x256xf32>
      %get3A_20 = arith.constant 0 : index
      %get3A_21 = arith.constant 0 : index
      %get3A_22 = vector.load %arg2[%get3A_20, %get3A_21] : memref<1024x256xf32, #tpu.memory_space<vmem>>, vector<1024x256xf32>
      %dot_general3A = arith.constant dense<0.000000e+00> : vector<1x1024xf32>
      %dot_general3A_23 = tpu.matmul %get3A_19, %get3A_22, %dot_general3A {dimension_numbers = #tpu.dot_dimension_numbers<[1], [1], [0], [0], [0, 0, 1, 0], [], []>, transpose_lhs_hint = false} : vector<1x256xf32>, vector<1024x256xf32>, vector<1x1024xf32> -> vector<1x1024xf32>
      %get3A_24 = arith.constant 0 : index
      %get3A_25 = arith.constant 0 : index
      %get3A_26 = vector.load %arg4[%get3A_24, %get3A_25] : memref<1x1xf32, #tpu.memory_space<vmem>>, vector<1x1xf32>
      %add3A = vector.broadcast %get3A_26 : vector<1x1xf32> to vector<1x1024xf32>
      %add3A_27 = arith.addf %dot_general3A_23, %add3A : vector<1x1024xf32>
      %swap3A_28 = arith.constant 0 : index
      %swap3A_29 = arith.constant 0 : index
      %swap3A_30 = vector.load %arg6[%swap3A_28, %swap3A_29] : memref<1x1024xf32, #tpu.memory_space<vmem>>, vector<1x1024xf32>
      tpu.vector_store %arg6[%swap3A_28, %swap3A_29], %add3A_27 {strides = array<i32>} : memref<1x1024xf32, #tpu.memory_space<vmem>>, vector<1x1024xf32>,
    } else {
    }
    %get3A = arith.constant 0 : index
    %get3A_2 = arith.constant 0 : index
    %get3A_3 = arith.constant 0 : index
    %get3A_4 = vector.load %arg1[%get3A, %get3A_2, %get3A_3] : memref<1x1x512xi32, #tpu.memory_space<vmem>>, vector<1x1x512xi32>
    %reshape3A = vector.shape_cast %get3A_4 : vector<1x1x512xi32> to vector<512x1xi32>
    %iota3A = tpu.iota {dimensions = array<i32: 1>} : vector<512x1024xi32>
    %eq3A_5 = vector.broadcast %reshape3A : vector<512x1xi32> to vector<512x1024xi32>
    %eq3A_6 = arith.cmpi eq, %iota3A, %eq3A_5 : vector<512x1024xi32>
    %get3A_7 = arith.constant 0 : index
    %get3A_8 = arith.constant 0 : index
    %get3A_9 = vector.load %arg6[%get3A_7, %get3A_8] : memref<1x1024xf32, #tpu.memory_space<vmem>>, vector<1x1024xf32>
    %jit3A = arith.constant 0.000000e+00 : f32
    %broadcast_in_dim3A = vector.shape_cast %get3A_9 : vector<1x1024xf32> to vector<1x1024xf32>
    %broadcast_in_dim3A_10 = vector.broadcast %broadcast_in_dim3A : vector<1x1024xf32> to vector<512x1024xf32>
    %broadcast_in_dim3A_11 = vector.broadcast %jit3A : f32 to vector<512x1024xf32>
    %select_n3A = arith.select %eq3A_6, %broadcast_in_dim3A_10, %broadcast_in_dim3A_11 : vector<512x1024xi1>, vector<512x1024xf32>
    %reduce_sum3A = arith.constant dense<0.000000e+00> : vector<512xf32>
    %reduce_sum3A_12 = vector.multi_reduction <add>, %select_n3A, %reduce_sum3A [1] : vector<512x1024xf32> to vector<512xf32>
    %reshape3A_13 = vector.shape_cast %reduce_sum3A_12 : vector<512xf32> to vector<1x1x512xf32>
    %swap3A = arith.constant 0 : index
    %swap3A_14 = arith.constant 0 : index
    %swap3A_15 = arith.constant 0 : index
    %swap3A_16 = vector.load %arg5[%swap3A, %swap3A_14, %swap3A_15] : memref<1x1x512xf32, #tpu.memory_space<vmem>>, vector<1x1x512xf32>
    tpu.vector_store %arg5[%swap3A, %swap3A_14, %swap3A_15], %reshape3A_13 {strides = array<i32>} : memref<1x1x512xf32, #tpu.memory_space<vmem>>, vector<1x1x512xf32>,
    return
  }
  func.func @transform_0(%arg0: i32) -> (i32, i32, i32) {
    %c0_i32 = arith.constant 0 : i32
    %c0_i32_0 = arith.constant 0 : i32
    %c0_i32_1 = arith.constant 0 : i32
    return %arg0, %c0_i32, %c0_i32_0 : i32, i32, i32
  }
  func.func @transform_1(%arg0: i32) -> (i32, i32) {
    %c0_i32 = arith.constant 0 : i32
    %c0_i32_0 = arith.constant 0 : i32
    %c0_i32_1 = arith.constant 0 : i32
    return %c0_i32, %c0_i32_0 : i32, i32
  }
  func.func @transform_2(%arg0: i32) -> (i32, i32) {
    %c0_i32 = arith.constant 0 : i32
    %c0_i32_0 = arith.constant 0 : i32
    %c0_i32_1 = arith.constant 0 : i32
    return %c0_i32, %c0_i32_0 : i32, i32
  }
  func.func @transform_3(%arg0: i32) -> (i32, i32) {
    %c0_i32 = arith.constant 0 : i32
    %c0_i32_0 = arith.constant 0 : i32
    %c0_i32_1 = arith.constant 0 : i32
    return %c0_i32, %c0_i32_0 : i32, i32
  }
  func.func @transform_4(%arg0: i32) -> (i32, i32, i32) {
    %c0_i32 = arith.constant 0 : i32
    %c0_i32_0 = arith.constant 0 : i32
    %c0_i32_1 = arith.constant 0 : i32
    return %arg0, %c0_i32, %c0_i32_0 : i32, i32, i32
  }
}

module attributes {stable_mosaic.version = 14 : i64} {
  func.func @_encoder_body(%arg0: i32, %arg1: memref<512x512xf32, #tpu.memory_space<vmem>>, %arg2: memref<256x512xf32, #tpu.memory_space<vmem>>, %arg3: memref<1x256xf32, #tpu.memory_space<vmem>>, %arg4: memref<256x256xf32, #tpu.memory_space<vmem>>, %arg5: memref<1x256xf32, #tpu.memory_space<vmem>>, %arg6: memref<256x256xf32, #tpu.memory_space<vmem>>, %arg7: memref<1x256xf32, #tpu.memory_space<vmem>>, %arg8: memref<1024x256xf32, #tpu.memory_space<vmem>>, %arg9: memref<128x256xf32, #tpu.memory_space<vmem>>, %arg10: memref<1x128xf32, #tpu.memory_space<vmem>>, %arg11: memref<1x256xf32, #tpu.memory_space<vmem>>, %arg12: memref<1x1xf32, #tpu.memory_space<vmem>>, %arg13: memref<1x1x512xi32, #tpu.memory_space<vmem>>, %arg14: memref<1024x128xf32, #tpu.memory_space<vmem>>, %arg15: memref<1x1024xf32, #tpu.memory_space<vmem>>) attributes {dimension_semantics = [#tpu.dimension_semantics<arbitrary>], iteration_bounds = array<i64: 4>, scalar_prefetch = 0 : i64, scratch_operands = 1 : i64, tpu.core_type = #tpu.core_type<tc>, window_params = [{transform_indices = @transform_0, window_bounds = array<i64: 512, 512>}, {pipeline_mode = #tpu.pipeline_mode<synchronous>, transform_indices = @transform_1, window_bounds = array<i64: 256, 512>}, {pipeline_mode = #tpu.pipeline_mode<synchronous>, transform_indices = @transform_2, window_bounds = array<i64: 1, 256>}, {pipeline_mode = #tpu.pipeline_mode<synchronous>, transform_indices = @transform_3, window_bounds = array<i64: 256, 256>}, {pipeline_mode = #tpu.pipeline_mode<synchronous>, transform_indices = @transform_4, window_bounds = array<i64: 1, 256>}, {pipeline_mode = #tpu.pipeline_mode<synchronous>, transform_indices = @transform_5, window_bounds = array<i64: 256, 256>}, {pipeline_mode = #tpu.pipeline_mode<synchronous>, transform_indices = @transform_6, window_bounds = array<i64: 1, 256>}, {pipeline_mode = #tpu.pipeline_mode<synchronous>, transform_indices = @transform_7, window_bounds = array<i64: 1024, 256>}, {pipeline_mode = #tpu.pipeline_mode<synchronous>, transform_indices = @transform_8, window_bounds = array<i64: 128, 256>}, {pipeline_mode = #tpu.pipeline_mode<synchronous>, transform_indices = @transform_9, window_bounds = array<i64: 1, 128>}, {pipeline_mode = #tpu.pipeline_mode<synchronous>, transform_indices = @transform_10, window_bounds = array<i64: 1, 256>}, {pipeline_mode = #tpu.pipeline_mode<synchronous>, transform_indices = @transform_11, window_bounds = array<i64: 1, 1>}, {transform_indices = @transform_12, window_bounds = array<i64: 1, 1, 512>}, {pipeline_mode = #tpu.pipeline_mode<synchronous>, transform_indices = @transform_13, window_bounds = array<i64: 1024, 128>}]} {
    %eq3A = arith.constant 0 : i32
    %eq3A_0 = arith.cmpi eq, %arg0, %eq3A : i32
    %convert_element_type3A = arith.extui %eq3A_0 : i1 to i32
    %cond3A = arith.constant 0 : i32
    %cond3A_1 = arith.cmpi ne, %convert_element_type3A, %cond3A : i32
    scf.if %cond3A_1 {
      %get3A_156 = arith.constant 0 : index
      %get3A_157 = arith.constant 0 : index
      %get3A_158 = vector.load %arg8[%get3A_156, %get3A_157] : memref<1024x256xf32, #tpu.memory_space<vmem>>, vector<1024x256xf32>
      %get3A_159 = arith.constant 0 : index
      %get3A_160 = arith.constant 0 : index
      %get3A_161 = vector.load %arg8[%get3A_159, %get3A_160] : memref<1024x256xf32, #tpu.memory_space<vmem>>, vector<1024x256xf32>
      %mul3A_162 = arith.mulf %get3A_158, %get3A_161 : vector<1024x256xf32>
      %broadcast_in_dim3A_163 = arith.constant 1.000000e+00 : f32
      %broadcast_in_dim3A_164 = vector.broadcast %broadcast_in_dim3A_163 : f32 to vector<1x256xf32>
      %dot_general3A_165 = arith.constant dense<0.000000e+00> : vector<1x1024xf32>
      %dot_general3A_166 = tpu.matmul %broadcast_in_dim3A_164, %mul3A_162, %dot_general3A_165 {dimension_numbers = #tpu.dot_dimension_numbers<[1], [1], [0], [0], [0, 0, 1, 0], [], []>, transpose_lhs_hint = false} : vector<1x256xf32>, vector<1024x256xf32>, vector<1x1024xf32> -> vector<1x1024xf32>
      %swap3A_167 = arith.constant 0 : index
      %swap3A_168 = arith.constant 0 : index
      %swap3A_169 = vector.load %arg15[%swap3A_167, %swap3A_168] : memref<1x1024xf32, #tpu.memory_space<vmem>>, vector<1x1024xf32>
      tpu.vector_store %arg15[%swap3A_167, %swap3A_168], %dot_general3A_166 {strides = array<i32>} : memref<1x1024xf32, #tpu.memory_space<vmem>>, vector<1x1024xf32>,
      %get3A_170 = arith.constant 0 : index
      %get3A_171 = arith.constant 0 : index
      %get3A_172 = vector.load %arg8[%get3A_170, %get3A_171] : memref<1024x256xf32, #tpu.memory_space<vmem>>, vector<1024x256xf32>
      %get3A_173 = arith.constant 0 : index
      %get3A_174 = arith.constant 0 : index
      %get3A_175 = vector.load %arg9[%get3A_173, %get3A_174] : memref<128x256xf32, #tpu.memory_space<vmem>>, vector<128x256xf32>
      %dot_general3A_176 = arith.constant dense<0.000000e+00> : vector<1024x128xf32>
      %dot_general3A_177 = tpu.matmul %get3A_172, %get3A_175, %dot_general3A_176 {dimension_numbers = #tpu.dot_dimension_numbers<[1], [1], [0], [0], [0, 0, 1, 0], [], []>, transpose_lhs_hint = false} : vector<1024x256xf32>, vector<128x256xf32>, vector<1024x128xf32> -> vector<1024x128xf32>
      %get3A_178 = arith.constant 0 : index
      %get3A_179 = arith.constant 0 : index
      %get3A_180 = vector.load %arg10[%get3A_178, %get3A_179] : memref<1x128xf32, #tpu.memory_space<vmem>>, vector<1x128xf32>
      %add3A_181 = vector.broadcast %get3A_180 : vector<1x128xf32> to vector<1024x128xf32>
      %add3A_182 = arith.addf %dot_general3A_177, %add3A_181 : vector<1024x128xf32>
      %reduce_max3A = arith.constant dense<0xFF800000> : vector<1024xf32>
      %reduce_max3A_183 = vector.multi_reduction <maximumf>, %add3A_182, %reduce_max3A [1] : vector<1024x128xf32> to vector<1024xf32>
      %broadcast_in_dim3A_184 = vector.shape_cast %reduce_max3A_183 : vector<1024xf32> to vector<1024x1xf32>
      %sub3A = vector.broadcast %broadcast_in_dim3A_184 : vector<1024x1xf32> to vector<1024x128xf32>
      %sub3A_185 = arith.subf %add3A_182, %sub3A : vector<1024x128xf32>
      %exp3A = math.exp %sub3A_185 : vector<1024x128xf32>
      %reduce_sum3A_186 = arith.constant dense<0.000000e+00> : vector<1024xf32>
      %reduce_sum3A_187 = vector.multi_reduction <add>, %exp3A, %reduce_sum3A_186 [1] : vector<1024x128xf32> to vector<1024xf32>
      %broadcast_in_dim3A_188 = vector.shape_cast %reduce_sum3A_187 : vector<1024xf32> to vector<1024x1xf32>
      %div3A = vector.broadcast %broadcast_in_dim3A_188 : vector<1024x1xf32> to vector<1024x128xf32>
      %div3A_189 = arith.divf %exp3A, %div3A : vector<1024x128xf32>
      %swap3A_190 = arith.constant 0 : index
      %swap3A_191 = arith.constant 0 : index
      %swap3A_192 = vector.load %arg14[%swap3A_190, %swap3A_191] : memref<1024x128xf32, #tpu.memory_space<vmem>>, vector<1024x128xf32>
      tpu.vector_store %arg14[%swap3A_190, %swap3A_191], %div3A_189 {strides = array<i32>} : memref<1024x128xf32, #tpu.memory_space<vmem>>, vector<1024x128xf32>,
    } else {
    }
    %get3A = arith.constant 0 : index
    %get3A_2 = arith.constant 0 : index
    %get3A_3 = vector.load %arg1[%get3A, %get3A_2] : memref<512x512xf32, #tpu.memory_space<vmem>>, vector<512x512xf32>
    %get3A_4 = arith.constant 0 : index
    %get3A_5 = arith.constant 0 : index
    %get3A_6 = vector.load %arg2[%get3A_4, %get3A_5] : memref<256x512xf32, #tpu.memory_space<vmem>>, vector<256x512xf32>
    %dot_general3A = arith.constant dense<0.000000e+00> : vector<512x256xf32>
    %dot_general3A_7 = tpu.matmul %get3A_3, %get3A_6, %dot_general3A {dimension_numbers = #tpu.dot_dimension_numbers<[1], [1], [0], [0], [0, 0, 1, 0], [], []>, transpose_lhs_hint = false} : vector<512x512xf32>, vector<256x512xf32>, vector<512x256xf32> -> vector<512x256xf32>
    %get3A_8 = arith.constant 0 : index
    %get3A_9 = arith.constant 0 : index
    %get3A_10 = vector.load %arg3[%get3A_8, %get3A_9] : memref<1x256xf32, #tpu.memory_space<vmem>>, vector<1x256xf32>
    %add3A = vector.broadcast %get3A_10 : vector<1x256xf32> to vector<512x256xf32>
    %add3A_11 = arith.addf %dot_general3A_7, %add3A : vector<512x256xf32>
    %max3A = arith.constant 0.000000e+00 : f32
    %max3A_12 = vector.broadcast %max3A : f32 to vector<512x256xf32>
    %max3A_13 = arith.maximumf %add3A_11, %max3A_12 : vector<512x256xf32>
    %get3A_14 = arith.constant 0 : index
    %get3A_15 = arith.constant 0 : index
    %get3A_16 = vector.load %arg4[%get3A_14, %get3A_15] : memref<256x256xf32, #tpu.memory_space<vmem>>, vector<256x256xf32>
    %dot_general3A_17 = arith.constant dense<0.000000e+00> : vector<512x256xf32>
    %dot_general3A_18 = tpu.matmul %max3A_13, %get3A_16, %dot_general3A_17 {dimension_numbers = #tpu.dot_dimension_numbers<[1], [1], [0], [0], [0, 0, 1, 0], [], []>, transpose_lhs_hint = false} : vector<512x256xf32>, vector<256x256xf32>, vector<512x256xf32> -> vector<512x256xf32>
    %get3A_19 = arith.constant 0 : index
    %get3A_20 = arith.constant 0 : index
    %get3A_21 = vector.load %arg5[%get3A_19, %get3A_20] : memref<1x256xf32, #tpu.memory_space<vmem>>, vector<1x256xf32>
    %add3A_22 = vector.broadcast %get3A_21 : vector<1x256xf32> to vector<512x256xf32>
    %add3A_23 = arith.addf %dot_general3A_18, %add3A_22 : vector<512x256xf32>
    %max3A_24 = arith.constant 0.000000e+00 : f32
    %max3A_25 = vector.broadcast %max3A_24 : f32 to vector<512x256xf32>
    %max3A_26 = arith.maximumf %add3A_23, %max3A_25 : vector<512x256xf32>
    %get3A_27 = arith.constant 0 : index
    %get3A_28 = arith.constant 0 : index
    %get3A_29 = vector.load %arg6[%get3A_27, %get3A_28] : memref<256x256xf32, #tpu.memory_space<vmem>>, vector<256x256xf32>
    %dot_general3A_30 = arith.constant dense<0.000000e+00> : vector<512x256xf32>
    %dot_general3A_31 = tpu.matmul %max3A_26, %get3A_29, %dot_general3A_30 {dimension_numbers = #tpu.dot_dimension_numbers<[1], [1], [0], [0], [0, 0, 1, 0], [], []>, transpose_lhs_hint = false} : vector<512x256xf32>, vector<256x256xf32>, vector<512x256xf32> -> vector<512x256xf32>
    %get3A_32 = arith.constant 0 : index
    %get3A_33 = arith.constant 0 : index
    %get3A_34 = vector.load %arg7[%get3A_32, %get3A_33] : memref<1x256xf32, #tpu.memory_space<vmem>>, vector<1x256xf32>
    %add3A_35 = vector.broadcast %get3A_34 : vector<1x256xf32> to vector<512x256xf32>
    %add3A_36 = arith.addf %dot_general3A_31, %add3A_35 : vector<512x256xf32>
    %max3A_37 = arith.constant 0.000000e+00 : f32
    %max3A_38 = vector.broadcast %max3A_37 : f32 to vector<512x256xf32>
    %max3A_39 = arith.maximumf %add3A_36, %max3A_38 : vector<512x256xf32>
    %mul3A = arith.constant -2.000000e+00 : f32
    %mul3A_40 = vector.broadcast %mul3A : f32 to vector<512x256xf32>
    %mul3A_41 = arith.mulf %max3A_39, %mul3A_40 : vector<512x256xf32>
    %get3A_42 = arith.constant 0 : index
    %get3A_43 = arith.constant 0 : index
    %get3A_44 = vector.load %arg8[%get3A_42, %get3A_43] : memref<1024x256xf32, #tpu.memory_space<vmem>>, vector<1024x256xf32>
    %dot_general3A_45 = arith.constant dense<0.000000e+00> : vector<512x1024xf32>
    %dot_general3A_46 = tpu.matmul %mul3A_41, %get3A_44, %dot_general3A_45 {dimension_numbers = #tpu.dot_dimension_numbers<[1], [1], [0], [0], [0, 0, 1, 0], [], []>, transpose_lhs_hint = false} : vector<512x256xf32>, vector<1024x256xf32>, vector<512x1024xf32> -> vector<512x1024xf32>
    %mul3A_47 = arith.mulf %max3A_39, %max3A_39 : vector<512x256xf32>
    %reduce_sum3A = arith.constant dense<0.000000e+00> : vector<512xf32>
    %reduce_sum3A_48 = vector.multi_reduction <add>, %mul3A_47, %reduce_sum3A [1] : vector<512x256xf32> to vector<512xf32>
    %broadcast_in_dim3A = vector.shape_cast %reduce_sum3A_48 : vector<512xf32> to vector<512x1xf32>
    %add3A_49 = vector.broadcast %broadcast_in_dim3A : vector<512x1xf32> to vector<512x1024xf32>
    %add3A_50 = arith.addf %add3A_49, %dot_general3A_46 : vector<512x1024xf32>
    %get3A_51 = arith.constant 0 : index
    %get3A_52 = arith.constant 0 : index
    %get3A_53 = vector.load %arg15[%get3A_51, %get3A_52] : memref<1x1024xf32, #tpu.memory_space<vmem>>, vector<1x1024xf32>
    %add3A_54 = vector.broadcast %get3A_53 : vector<1x1024xf32> to vector<512x1024xf32>
    %add3A_55 = arith.addf %add3A_50, %add3A_54 : vector<512x1024xf32>
    %slice3A = vector.extract_strided_slice %add3A_55 {offsets = [0, 0], sizes = [512, 128], strides = [1, 1]} : vector<512x1024xf32> to vector<512x128xf32>
    %slice3A_56 = vector.extract_strided_slice %add3A_55 {offsets = [0, 128], sizes = [512, 128], strides = [1, 1]} : vector<512x1024xf32> to vector<512x128xf32>
    %min3A = arith.minimumf %slice3A, %slice3A_56 : vector<512x128xf32>
    %slice3A_57 = vector.extract_strided_slice %add3A_55 {offsets = [0, 256], sizes = [512, 128], strides = [1, 1]} : vector<512x1024xf32> to vector<512x128xf32>
    %min3A_58 = arith.minimumf %min3A, %slice3A_57 : vector<512x128xf32>
    %slice3A_59 = vector.extract_strided_slice %add3A_55 {offsets = [0, 384], sizes = [512, 128], strides = [1, 1]} : vector<512x1024xf32> to vector<512x128xf32>
    %min3A_60 = arith.minimumf %min3A_58, %slice3A_59 : vector<512x128xf32>
    %slice3A_61 = vector.extract_strided_slice %add3A_55 {offsets = [0, 512], sizes = [512, 128], strides = [1, 1]} : vector<512x1024xf32> to vector<512x128xf32>
    %min3A_62 = arith.minimumf %min3A_60, %slice3A_61 : vector<512x128xf32>
    %slice3A_63 = vector.extract_strided_slice %add3A_55 {offsets = [0, 640], sizes = [512, 128], strides = [1, 1]} : vector<512x1024xf32> to vector<512x128xf32>
    %min3A_64 = arith.minimumf %min3A_62, %slice3A_63 : vector<512x128xf32>
    %slice3A_65 = vector.extract_strided_slice %add3A_55 {offsets = [0, 768], sizes = [512, 128], strides = [1, 1]} : vector<512x1024xf32> to vector<512x128xf32>
    %min3A_66 = arith.minimumf %min3A_64, %slice3A_65 : vector<512x128xf32>
    %slice3A_67 = vector.extract_strided_slice %add3A_55 {offsets = [0, 896], sizes = [512, 128], strides = [1, 1]} : vector<512x1024xf32> to vector<512x128xf32>
    %min3A_68 = arith.minimumf %min3A_66, %slice3A_67 : vector<512x128xf32>
    %reduce_min3A = arith.constant dense<0x7F800000> : vector<512xf32>
    %reduce_min3A_69 = vector.multi_reduction <minimumf>, %min3A_68, %reduce_min3A [1] : vector<512x128xf32> to vector<512xf32>
    %broadcast_in_dim3A_70 = vector.shape_cast %reduce_min3A_69 : vector<512xf32> to vector<512x1xf32>
    %iota3A = tpu.iota {dimensions = array<i32: 1>} : vector<512x128xi32>
    %broadcast_in_dim3A_71 = arith.constant 1024 : i32
    %broadcast_in_dim3A_72 = vector.broadcast %broadcast_in_dim3A_71 : i32 to vector<512x128xi32>
    %slice3A_73 = vector.extract_strided_slice %add3A_55 {offsets = [0, 0], sizes = [512, 128], strides = [1, 1]} : vector<512x1024xf32> to vector<512x128xf32>
    %eq3A_74 = vector.broadcast %broadcast_in_dim3A_70 : vector<512x1xf32> to vector<512x128xf32>
    %eq3A_75 = arith.cmpf oeq, %slice3A_73, %eq3A_74 : vector<512x128xf32>
    %add3A_76 = arith.constant 0 : i32
    %add3A_77 = vector.broadcast %add3A_76 : i32 to vector<512x128xi32>
    %add3A_78 = arith.addi %iota3A, %add3A_77 : vector<512x128xi32>
    %jit3A = arith.constant 1024 : i32
    %broadcast_in_dim3A_79 = vector.broadcast %jit3A : i32 to vector<512x128xi32>
    %select_n3A = arith.select %eq3A_75, %add3A_78, %broadcast_in_dim3A_79 : vector<512x128xi1>, vector<512x128xi32>
    %min3A_80 = arith.minsi %broadcast_in_dim3A_72, %select_n3A : vector<512x128xi32>
    %slice3A_81 = vector.extract_strided_slice %add3A_55 {offsets = [0, 128], sizes = [512, 128], strides = [1, 1]} : vector<512x1024xf32> to vector<512x128xf32>
    %eq3A_82 = vector.broadcast %broadcast_in_dim3A_70 : vector<512x1xf32> to vector<512x128xf32>
    %eq3A_83 = arith.cmpf oeq, %slice3A_81, %eq3A_82 : vector<512x128xf32>
    %add3A_84 = arith.constant 128 : i32
    %add3A_85 = vector.broadcast %add3A_84 : i32 to vector<512x128xi32>
    %add3A_86 = arith.addi %iota3A, %add3A_85 : vector<512x128xi32>
    %jit3A_87 = arith.constant 1024 : i32
    %broadcast_in_dim3A_88 = vector.broadcast %jit3A_87 : i32 to vector<512x128xi32>
    %select_n3A_89 = arith.select %eq3A_83, %add3A_86, %broadcast_in_dim3A_88 : vector<512x128xi1>, vector<512x128xi32>
    %min3A_90 = arith.minsi %min3A_80, %select_n3A_89 : vector<512x128xi32>
    %slice3A_91 = vector.extract_strided_slice %add3A_55 {offsets = [0, 256], sizes = [512, 128], strides = [1, 1]} : vector<512x1024xf32> to vector<512x128xf32>
    %eq3A_92 = vector.broadcast %broadcast_in_dim3A_70 : vector<512x1xf32> to vector<512x128xf32>
    %eq3A_93 = arith.cmpf oeq, %slice3A_91, %eq3A_92 : vector<512x128xf32>
    %add3A_94 = arith.constant 256 : i32
    %add3A_95 = vector.broadcast %add3A_94 : i32 to vector<512x128xi32>
    %add3A_96 = arith.addi %iota3A, %add3A_95 : vector<512x128xi32>
    %jit3A_97 = arith.constant 1024 : i32
    %broadcast_in_dim3A_98 = vector.broadcast %jit3A_97 : i32 to vector<512x128xi32>
    %select_n3A_99 = arith.select %eq3A_93, %add3A_96, %broadcast_in_dim3A_98 : vector<512x128xi1>, vector<512x128xi32>
    %min3A_100 = arith.minsi %min3A_90, %select_n3A_99 : vector<512x128xi32>
    %slice3A_101 = vector.extract_strided_slice %add3A_55 {offsets = [0, 384], sizes = [512, 128], strides = [1, 1]} : vector<512x1024xf32> to vector<512x128xf32>
    %eq3A_102 = vector.broadcast %broadcast_in_dim3A_70 : vector<512x1xf32> to vector<512x128xf32>
    %eq3A_103 = arith.cmpf oeq, %slice3A_101, %eq3A_102 : vector<512x128xf32>
    %add3A_104 = arith.constant 384 : i32
    %add3A_105 = vector.broadcast %add3A_104 : i32 to vector<512x128xi32>
    %add3A_106 = arith.addi %iota3A, %add3A_105 : vector<512x128xi32>
    %jit3A_107 = arith.constant 1024 : i32
    %broadcast_in_dim3A_108 = vector.broadcast %jit3A_107 : i32 to vector<512x128xi32>
    %select_n3A_109 = arith.select %eq3A_103, %add3A_106, %broadcast_in_dim3A_108 : vector<512x128xi1>, vector<512x128xi32>
    %min3A_110 = arith.minsi %min3A_100, %select_n3A_109 : vector<512x128xi32>
    %slice3A_111 = vector.extract_strided_slice %add3A_55 {offsets = [0, 512], sizes = [512, 128], strides = [1, 1]} : vector<512x1024xf32> to vector<512x128xf32>
    %eq3A_112 = vector.broadcast %broadcast_in_dim3A_70 : vector<512x1xf32> to vector<512x128xf32>
    %eq3A_113 = arith.cmpf oeq, %slice3A_111, %eq3A_112 : vector<512x128xf32>
    %add3A_114 = arith.constant 512 : i32
    %add3A_115 = vector.broadcast %add3A_114 : i32 to vector<512x128xi32>
    %add3A_116 = arith.addi %iota3A, %add3A_115 : vector<512x128xi32>
    %jit3A_117 = arith.constant 1024 : i32
    %broadcast_in_dim3A_118 = vector.broadcast %jit3A_117 : i32 to vector<512x128xi32>
    %select_n3A_119 = arith.select %eq3A_113, %add3A_116, %broadcast_in_dim3A_118 : vector<512x128xi1>, vector<512x128xi32>
    %min3A_120 = arith.minsi %min3A_110, %select_n3A_119 : vector<512x128xi32>
    %slice3A_121 = vector.extract_strided_slice %add3A_55 {offsets = [0, 640], sizes = [512, 128], strides = [1, 1]} : vector<512x1024xf32> to vector<512x128xf32>
    %eq3A_122 = vector.broadcast %broadcast_in_dim3A_70 : vector<512x1xf32> to vector<512x128xf32>
    %eq3A_123 = arith.cmpf oeq, %slice3A_121, %eq3A_122 : vector<512x128xf32>
    %add3A_124 = arith.constant 640 : i32
    %add3A_125 = vector.broadcast %add3A_124 : i32 to vector<512x128xi32>
    %add3A_126 = arith.addi %iota3A, %add3A_125 : vector<512x128xi32>
    %jit3A_127 = arith.constant 1024 : i32
    %broadcast_in_dim3A_128 = vector.broadcast %jit3A_127 : i32 to vector<512x128xi32>
    %select_n3A_129 = arith.select %eq3A_123, %add3A_126, %broadcast_in_dim3A_128 : vector<512x128xi1>, vector<512x128xi32>
    %min3A_130 = arith.minsi %min3A_120, %select_n3A_129 : vector<512x128xi32>
    %slice3A_131 = vector.extract_strided_slice %add3A_55 {offsets = [0, 768], sizes = [512, 128], strides = [1, 1]} : vector<512x1024xf32> to vector<512x128xf32>
    %eq3A_132 = vector.broadcast %broadcast_in_dim3A_70 : vector<512x1xf32> to vector<512x128xf32>
    %eq3A_133 = arith.cmpf oeq, %slice3A_131, %eq3A_132 : vector<512x128xf32>
    %add3A_134 = arith.constant 768 : i32
    %add3A_135 = vector.broadcast %add3A_134 : i32 to vector<512x128xi32>
    %add3A_136 = arith.addi %iota3A, %add3A_135 : vector<512x128xi32>
    %jit3A_137 = arith.constant 1024 : i32
    %broadcast_in_dim3A_138 = vector.broadcast %jit3A_137 : i32 to vector<512x128xi32>
    %select_n3A_139 = arith.select %eq3A_133, %add3A_136, %broadcast_in_dim3A_138 : vector<512x128xi1>, vector<512x128xi32>
    %min3A_140 = arith.minsi %min3A_130, %select_n3A_139 : vector<512x128xi32>
    %slice3A_141 = vector.extract_strided_slice %add3A_55 {offsets = [0, 896], sizes = [512, 128], strides = [1, 1]} : vector<512x1024xf32> to vector<512x128xf32>
    %eq3A_142 = vector.broadcast %broadcast_in_dim3A_70 : vector<512x1xf32> to vector<512x128xf32>
    %eq3A_143 = arith.cmpf oeq, %slice3A_141, %eq3A_142 : vector<512x128xf32>
    %add3A_144 = arith.constant 896 : i32
    %add3A_145 = vector.broadcast %add3A_144 : i32 to vector<512x128xi32>
    %add3A_146 = arith.addi %iota3A, %add3A_145 : vector<512x128xi32>
    %jit3A_147 = arith.constant 1024 : i32
    %broadcast_in_dim3A_148 = vector.broadcast %jit3A_147 : i32 to vector<512x128xi32>
    %select_n3A_149 = arith.select %eq3A_143, %add3A_146, %broadcast_in_dim3A_148 : vector<512x128xi1>, vector<512x128xi32>
    %min3A_150 = arith.minsi %min3A_140, %select_n3A_149 : vector<512x128xi32>
    %reduce_min3A_151 = arith.constant dense<2147483647> : vector<512xi32>
    %reduce_min3A_152 = vector.multi_reduction <minsi>, %min3A_150, %reduce_min3A_151 [1] : vector<512x128xi32> to vector<512xi32>
    %reshape3A = vector.shape_cast %reduce_min3A_152 : vector<512xi32> to vector<1x1x512xi32>
    %swap3A = arith.constant 0 : index
    %swap3A_153 = arith.constant 0 : index
    %swap3A_154 = arith.constant 0 : index
    %swap3A_155 = vector.load %arg13[%swap3A, %swap3A_153, %swap3A_154] : memref<1x1x512xi32, #tpu.memory_space<vmem>>, vector<1x1x512xi32>
    tpu.vector_store %arg13[%swap3A, %swap3A_153, %swap3A_154], %reshape3A {strides = array<i32>} : memref<1x1x512xi32, #tpu.memory_space<vmem>>, vector<1x1x512xi32>,
    return
  }
  func.func @transform_0(%arg0: i32) -> (i32, i32) {
    %c0_i32 = arith.constant 0 : i32
    %c0_i32_0 = arith.constant 0 : i32
    return %arg0, %c0_i32 : i32, i32
  }
  func.func @transform_1(%arg0: i32) -> (i32, i32) {
    %c0_i32 = arith.constant 0 : i32
    %c0_i32_0 = arith.constant 0 : i32
    %c0_i32_1 = arith.constant 0 : i32
    return %c0_i32, %c0_i32_0 : i32, i32
  }
  func.func @transform_2(%arg0: i32) -> (i32, i32) {
    %c0_i32 = arith.constant 0 : i32
    %c0_i32_0 = arith.constant 0 : i32
    %c0_i32_1 = arith.constant 0 : i32
    return %c0_i32, %c0_i32_0 : i32, i32
  }
  func.func @transform_3(%arg0: i32) -> (i32, i32) {
    %c0_i32 = arith.constant 0 : i32
    %c0_i32_0 = arith.constant 0 : i32
    %c0_i32_1 = arith.constant 0 : i32
    return %c0_i32, %c0_i32_0 : i32, i32
  }
  func.func @transform_4(%arg0: i32) -> (i32, i32) {
    %c0_i32 = arith.constant 0 : i32
    %c0_i32_0 = arith.constant 0 : i32
    %c0_i32_1 = arith.constant 0 : i32
    return %c0_i32, %c0_i32_0 : i32, i32
  }
  func.func @transform_5(%arg0: i32) -> (i32, i32) {
    %c0_i32 = arith.constant 0 : i32
    %c0_i32_0 = arith.constant 0 : i32
    %c0_i32_1 = arith.constant 0 : i32
    return %c0_i32, %c0_i32_0 : i32, i32
  }
  func.func @transform_6(%arg0: i32) -> (i32, i32) {
    %c0_i32 = arith.constant 0 : i32
    %c0_i32_0 = arith.constant 0 : i32
    %c0_i32_1 = arith.constant 0 : i32
    return %c0_i32, %c0_i32_0 : i32, i32
  }
  func.func @transform_7(%arg0: i32) -> (i32, i32) {
    %c0_i32 = arith.constant 0 : i32
    %c0_i32_0 = arith.constant 0 : i32
    %c0_i32_1 = arith.constant 0 : i32
    return %c0_i32, %c0_i32_0 : i32, i32
  }
  func.func @transform_8(%arg0: i32) -> (i32, i32) {
    %c0_i32 = arith.constant 0 : i32
    %c0_i32_0 = arith.constant 0 : i32
    %c0_i32_1 = arith.constant 0 : i32
    return %c0_i32, %c0_i32_0 : i32, i32
  }
  func.func @transform_9(%arg0: i32) -> (i32, i32) {
    %c0_i32 = arith.constant 0 : i32
    %c0_i32_0 = arith.constant 0 : i32
    %c0_i32_1 = arith.constant 0 : i32
    return %c0_i32, %c0_i32_0 : i32, i32
  }
  func.func @transform_10(%arg0: i32) -> (i32, i32) {
    %c0_i32 = arith.constant 0 : i32
    %c0_i32_0 = arith.constant 0 : i32
    %c0_i32_1 = arith.constant 0 : i32
    return %c0_i32, %c0_i32_0 : i32, i32
  }
  func.func @transform_11(%arg0: i32) -> (i32, i32) {
    %c0_i32 = arith.constant 0 : i32
    %c0_i32_0 = arith.constant 0 : i32
    %c0_i32_1 = arith.constant 0 : i32
    return %c0_i32, %c0_i32_0 : i32, i32
  }
  func.func @transform_12(%arg0: i32) -> (i32, i32, i32) {
    %c0_i32 = arith.constant 0 : i32
    %c0_i32_0 = arith.constant 0 : i32
    %c0_i32_1 = arith.constant 0 : i32
    return %arg0, %c0_i32, %c0_i32_0 : i32, i32, i32
  }
  func.func @transform_13(%arg0: i32) -> (i32, i32) {
    %c0_i32 = arith.constant 0 : i32
    %c0_i32_0 = arith.constant 0 : i32
    %c0_i32_1 = arith.constant 0 : i32
    return %c0_i32, %c0_i32_0 : i32, i32
  }
}

</mosaic_0001>

<sc_bundles>
// kernel: kernel.5.cloned.1.call-start
scs
__scs_entry_jumppad:
0x0: {  	(pc) =	sbr.rel $0x88, $3  }
0x1: {  	(tag) =	ssettag $0x0;
	lr =	simm.s32 $0x1  }
0x2: {  	[smem:$0x3F95] =	sst lr;
	_ =	strace $0xD0000000  }
0x3: {  	_ = 	snop  }
0x4: {  	_ = 	snop  }
0x5: {  	_ = 	snop  }
0x6: {  	_ = 	snop  }
0x7: {  	_ = 	snop  }
__scs_overlays_trampoline_lowered:
0x8: {  	[smem:$0x3FA4] =	sst s0  }
0x9: {  	[smem:$0x3FA5] =	sst s1  }
0xa: {  	[smem:$0x3FA6] =	sst s2  }
0xb: {  	[smem:$0x3FA7] =	sst s3  }
0xc: {  	[smem:$0x3FA8] =	sst s4  }
0xd: {  	[smem:$0x3FA9] =	sst s5  }
0xe: {  	[smem:$0x3FAA] =	sst s6  }
0xf: {  	[smem:$0x3FAB] =	sst s7  }
0x10: {  	[smem:$0x3FAC] =	sst s8  }
0x11: {  	[smem:$0x3FAD] =	sst s9;
	s0 =	simm.s32 @!p0 $0x0  }
0x12: {  	s1 =	sld [smem:$0x3F93];
	s0 =	simm.s32 @p0 $0x1  }
0x13: {  	[smem:$0x3FAE] =	sst s0;
	s0 =	simm.s32 @!p1 $0x0  }
0x14: {  	s2 =	sld [smem:$0x3F92];
	s0 =	simm.s32 @p1 $0x1  }
0x15: {  	[smem:$0x3FAF] =	sst s0;
	s0 =	simm.s32 @!p2 $0x0  }
0x16: {  	s3 =	sld [smem:$0x3FDB];
	s0 =	simm.s32 @p2 $0x1  }
0x17: {  	s4 =	simm.s32 $0x1BF5;
	[smem:$0x3FB1] =	sst s0  }
0x18: {  	s0 =	sld [smem:$0x3F94];
	_ =	swait.ge [sflag:s4], $0x0  }
0x19: {  	s7 =	sld [smem:$0x3F95]  }
0x1a: {  	s8 =	sadd.s32 $0xFFFFE003, lr  }
0x1b: {  	s9 =	sadd.s32 $0xFFFFFEF7, lr;
	s5 =	simm.s32 $0xFFFFFFFF;
	p2 =	slt.u32 s8, $0xFFFFF086  }
0x1c: {  	p1 =	slt.u32 s9, $0xF7A;
	s5 =	simm.s32 @!p2 $0x0  }
0x1d: {  	s5 =	simm.s32 @p1 $0x1;
	p0 =	seq.s32 s7, s2  }
0x1e: {  	s7 =	smul.u32 @!p0 $0xF7A, s2;
	p2 =	seq.s32 @!p0 s5, $0x0  }
0x1f: {  	s9 =	smul.u32 $0xF7A, s1;
	s8 =	simm.s32 @!p0 $0x1BF5;
	p2 =	por !p2, p0  }
0x20: {  	[sflag:s8] =	ssyncset.s32 @!p0 $0xFFFFF086;
	s6 =	sadd.s32 @!p0 s3, s7;
	s7 =	simm.s32 @!p0 $0x108  }
0x21: {  	s3 =	sadd.s32 s3, s9;
	s6 =	sadd.s32 @!p0 $0x88, s6;
	s7 =	simm.s32 @p2 $0x1082  }
0x22: {  	[simem:s7], [sflag:s8] =	dma.local @!p0 [hbm:s6], $0xF7A  }
0x23: {  	s9 =	sor.u32 $0xD0000000, s2;
	s6 =	simm.s32 $0x108;
	_ =	swait.ge @!p0 [sflag:s8], $0x0  }
0x24: {  	s3 =	sadd.s32 $0x88, s3;
	s6 =	simm.s32 @!p1 $0x1082;
	[sflag:s4] =	ssyncset.s32 $0xFFFFF086  }
0x25: {  	[simem:s6], [sflag:s4] =	dma.local [hbm:s3], $0xF7A  }
0x26: {  	[smem:$0x3F95] =	sst s1;
	(tag) =	ssettag s2;
	_ =	strace s9  }
0x27: {  	s1 =	sld [smem:$0x3FA5]  }
0x28: {  	s2 =	sld [smem:$0x3FA6]  }
0x29: {  	s4 =	sld [smem:$0x3FA8]  }
0x2a: {  	p0 =	seq.s32 s5, $0x0;
	s5 =	sld [smem:$0x3FA9]  }
0x2b: {  	s6 =	sld [smem:$0x3FAA]  }
0x2c: {  	s7 =	sld [smem:$0x3FAB]  }
0x2d: {  	s3 =	simm.s32 $0x108;
	s8 =	sld [smem:$0x3FAC]  }
0x2e: {  	s3 =	simm.s32 @!p0 $0x1082;
	s9 =	sld [smem:$0x3FAD]  }
0x2f: {  	lr =	sadd.s32 s0, s3;
	s0 =	sld [smem:$0x3FA4]  }
0x30: {  	s3 =	sld [smem:$0x3FA7]  }
0x31: {  	[smem:$0x3FB0] =	sst s10  }
0x32: {  	s10 =	sld [smem:$0x3FAE];
	_ =	sdelay $0x3  }
0x33: {  	p0 =	seq.s32 s10, $0x1;
	s10 =	sld [smem:$0x3FB0];
	_ =	sdelay $0x3  }
0x34: {  	[smem:$0x3FB0] =	sst s10  }
0x35: {  	s10 =	sld [smem:$0x3FAF];
	_ =	sdelay $0x3  }
0x36: {  	p1 =	seq.s32 s10, $0x1;
	s10 =	sld [smem:$0x3FB0];
	_ =	sdelay $0x3  }
0x37: {  	[smem:$0x3FB0] =	sst s10  }
0x38: {  	s10 =	sld [smem:$0x3FB1]  }
0x39: {  	_ = 	snop;
	(pc) =	sbr.ind lr, $3  }
0x3a: {  	_ = 	snop  }
0x3b: {  	_ = 	snop  }
0x3c: {  	p2 =	seq.s32 s10, $0x1;
	s10 =	sld [smem:$0x3FB0]  }
0x3d: {  	_ =	shalt  }
0x3e: {  	_ =	shalt  }
0x3f: {  	_ =	shalt  }
0x40: {  	_ =	shalt  }
0x41: {  	_ =	shalt  }
0x42: {  	_ =	shalt  }
0x43: {  	_ =	shalt  }
0x44: {  	_ =	shalt  }
0x45: {  	_ =	shalt  }
0x46: {  	_ =	shalt  }
0x47: {  	_ =	shalt  }
0x48: {  	_ =	shalt  }
0x49: {  	_ =	shalt  }
0x4a: {  	_ =	shalt  }
0x4b: {  	_ =	shalt  }
0x4c: {  	_ =	shalt  }
0x4d: {  	_ =	shalt  }
0x4e: {  	_ =	shalt  }
0x4f: {  	_ =	shalt  }
0x50: {  	_ =	shalt  }
0x51: {  	_ =	shalt  }
0x52: {  	_ =	shalt  }
0x53: {  	_ =	shalt  }
0x54: {  	_ =	shalt  }
0x55: {  	_ =	shalt  }
0x56: {  	_ =	shalt  }
0x57: {  	_ =	shalt  }
0x58: {  	_ =	shalt  }
0x59: {  	_ =	shalt  }
0x5a: {  	_ =	shalt  }
0x5b: {  	_ =	shalt  }
0x5c: {  	_ =	shalt  }
0x5d: {  	_ =	shalt  }
0x5e: {  	_ =	shalt  }
0x5f: {  	_ =	shalt  }
0x60: {  	_ =	shalt  }
0x61: {  	_ =	shalt  }
0x62: {  	_ =	shalt  }
0x63: {  	_ =	shalt  }
0x64: {  	_ =	shalt  }
0x65: {  	_ =	shalt  }
0x66: {  	_ =	shalt  }
0x67: {  	_ =	shalt  }
0x68: {  	_ =	shalt  }
0x69: {  	_ =	shalt  }
0x6a: {  	_ =	shalt  }
0x6b: {  	_ =	shalt  }
0x6c: {  	_ =	shalt  }
0x6d: {  	_ =	shalt  }
0x6e: {  	_ =	shalt  }
0x6f: {  	_ =	shalt  }
0x70: {  	_ =	shalt  }
0x71: {  	_ =	shalt  }
0x72: {  	_ =	shalt  }
0x73: {  	_ =	shalt  }
0x74: {  	_ =	shalt  }
0x75: {  	_ =	shalt  }
0x76: {  	_ =	shalt  }
0x77: {  	_ =	shalt  }
0x78: {  	_ =	shalt  }
0x79: {  	_ =	shalt  }
0x7a: {  	_ =	shalt  }
0x7b: {  	_ =	shalt  }
0x7c: {  	_ =	shalt  }
0x7d: {  	_ =	shalt  }
0x7e: {  	_ =	shalt  }
0x7f: {  	_ =	shalt  }
0x80: {  	_ =	shalt  }
0x81: {  	_ =	shalt  }
0x82: {  	_ =	shalt  }
0x83: {  	_ =	shalt  }
0x84: {  	_ =	shalt  }
0x85: {  	_ =	shalt  }
0x86: {  	_ =	shalt  }
0x87: {  	_ =	shalt  }
.Lfunc_end0:
.L_simem_size_0:
called_computation_lowered:
.L_overlay_start_0:
0x88: {  	s2 =	sld [smem:$0x3FD9]  }
0x89: {  	s3 =	sld [smem:$0x3FFE];
	_ =	sdelay $0x1  }
0x8a: {  	s1 =	srdreg.scid  }
0x8b: {  	s0 =	sand.u32 $0x1, s1  }
0x8c: {  	s14 =	sshll.u32 s0, $0xA;
	s2 =	sadd.s32 s3, s2  }
0x8d: {  	s2 =	sadd.s32 s2, s14  }
0x8e: {  	[smem:$0x3FBC] =	sst s2  }
0x8f: {  	_ = 	snop  }
0x90: {  	s2 =	sld [smem:$0x3FD0];
	_ =	sdelay $0x2  }
0x91: {  	s15 =	simm.s32 $0xA;
	s4 =	simm.s32 $0x10  }
0x92: {  	[smem:s4], [sflag:s15] =	dma.local [hbm:s2], $0x1  }
0x93: {  	_ =	swait.eq [sflag:s15], $0x1  }
0x94: {  	[sflag:s15] =	ssyncset.done $0x0  }
0x95: {  	[sflag:s15] =	ssyncadd.s32 $0xFFFFFFFF  }
0x96: {  	s16 =	sld [smem:$0x10];
	(tm) =	ssettm $0x1  }
0x97: {  	s17 =	sld [smem:$0x3FFB];
	_ =	sdelay $0x3  }
0x98: {  	_ =	strace s17  }
0x99: {  	s3 =	sld [smem:$0x3FFC];
	_ =	sdelay $0x3  }
0x9a: {  	_ =	strace s3  }
0x9b: {  	s3 =	sld [smem:$0x3FFD];
	_ =	sdelay $0x3  }
0x9c: {  	_ =	strace s3  }
0x9d: {  	_ =	strace $0x8FFFFFFF  }
0x9e: {  	s18 =	sld [smem:$0x3FDB];
	_ =	sdelay $0x1  }
0x9f: {  	s19 =	simm.s32 $_scs_section_size  }
0xa0: {  	s5 =	simm.s32 $_size__tile_overlayer_lowered;
	s6 =	simm.s32 $_tile_overlayer_lowered  }
0xa1: {  	s22 =	simm.s32 $0x1BFF;
	s21 =	sshll.u32 s6, $0x1;
	s3 =	sadd.s32 s19, s18  }
0xa2: {  	s7 =	simm.s32 $0x0;
	s20 =	sshll.u32 s5, $0x1;
	s5 =	sadd.s32 s21, s3  }
0xa3: {  	[timem:s7], [sflag:s22] =	dma.local [hbm:s5], s20  }
0xa4: {  	_ =	swait.ge [sflag:s22], s20  }
0xa5: {  	s4 =	ssub.s32 $0x0, s20;
	[sflag:s22] =	ssyncset.done $0x0  }
0xa6: {  	[sflag:s22] =	ssyncadd.s32 s4;
	_ =	sdelay $0x1  }
0xa7: {  	s23 =	simm.s32 $0x1B8B  }
0xa8: {  	_ =	swait.ge [sflag:s23], $0x1  }
0xa9: {  	[sflag:s23] =	ssyncset.done $0x0  }
0xaa: {  	s25 =	simm.s32 $0x1B8E;
	s24 =	sld [smem:$0x3FFE];
	[sflag:s23] =	ssyncadd.s32 $0xFFFFFFFF  }
0xab: {  	s26 =	simm.s32 $execute0_lowered;
	[smem:$0x3FD2] =	sst s25  }
0xac: {  	s5 =	sshll.u32 s26, $0x1;
	_ =	strace $0x80000046;
	[dreg:$0x1] =	wrdreg $0xFFFFFFFF  }
0xad: {  	s28 =	simm.s32 $_size_execute0_lowered;
	s3 =	sadd.s32 s3, s5;
	[dreg:$0x0] =	wrdreg $0x0  }
0xae: {  	s5 =	sshll.u32 s28, $0x1;
	[dreg:$0x2] =	wrdreg s3  }
0xaf: {  	[dreg:$0x3] =	wrdreg s5  }
0xb0: {  	[dreg:$0x4] =	wrdreg $0xC0  }
0xb1: {  	_ =	task [dreg:s7], $0x5FFFF  }
0xb2: {  	[dreg:$0x1] =	wrdreg $0xFFFFFFFF  }
0xb3: {  	[dreg:$0x0] =	wrdreg $0x60  }
0xb4: {  	[dreg:$0x2] =	wrdreg s24  }
0xb5: {  	[dreg:$0x3] =	wrdreg s16  }
0xb6: {  	[dreg:$0x4] =	wrdreg $0x20800  }
0xb7: {  	[dreg:$0x5] =	wrdreg $0x9  }
0xb8: {  	_ =	task.clear_ibuf [dreg:s7], $0x6FFFF;
	_ =	strace $0x90000046  }
0xb9: {  	s29 =	simm.s32 $0x9;
	_ =	strace $0x80000048  }
0xba: {  	_ =	swait.ge [sflag:s29], $0x1  }
0xbb: {  	[sflag:s29] =	ssyncadd.s32 $0xFFFFFFFF  }
0xbc: {  	_ =	strace $0x90000048  }
0xbd: {  	_ =	sfence  }
0xbe: {  	s30 =	sld [smem:$0x0];
	_ =	sdelay $0x2  }
0xbf: {  	s31 =	sshll.u32 s1, $0xD;
	s1 =	sshrl.u32 s1, $0x2  }
0xc0: {  	s3 =	sand.u32 $0x4000, s31;
	s1 =	sadd.s32 s1, s30  }
0xc1: {  	s0 =	sor.u32 s3, s0;
	s1 =	sshll.u32 s1, $0x11  }
0xc2: {  	s0 =	sor.u32 s1, s0  }
0xc3: {  	s0 =	sadd.s32 $0x8F2B, s0  }
0xc4: {  	[sflag:s0] =	ssyncadd.remote.s32 $0x1  }
0xc5: {  	_ =	sfence.sel $0xFFFF  }
0xc6: {  	[dreg:$0x0] =	wrdreg $0xFFFFFFFF;
	(pc) =	sbr.abs _section_cstart, $3  }
0xc7: {  	[dreg:$0x1] =	wrdreg $0xFFFFFFFF  }
0xc8: {  	_ =	task.clear_ibuf [dreg:s7], $0x2FFFF;
	_ =	strace $0x9FFFFFFF  }
0xc9: {  	(tm) =	ssettm $0x7FFFFFFF  }
tec
execute0_lowered:
.L_overlay_start_1:
0x0: {  	(tag) =	ssettag $0x1  }
0x1: {  	s4 =	rddreg [dreg:$0x0]  }
0x2: {  	s12 =	rddreg [dreg:$0x1]  }
0x3: {  	s2 =	rddreg [dreg:$0x2];
	s3 =	srdreg.scid  }
0x4: {  	s0 =	rddreg [dreg:$0x3];
	s1 =	stileid.u32;
	s10 =	sand.u32 $0x1, s3  }
0x5: {  	s3 =	simm.s32 $0x0;
	s5 =	sshll.u32 s1, $0x7;
	s7 =	sshll.u32 s1, $0xA  }
0x6: {  	s30 =	sshll.u32 s1, $0xD;
	s31 =	sshll.u32 s1, $0x6;
	s6 =	sshll.u32 s10, $0x6  }
0x7: {  	[smem:$0x7FF] =	sst s3;
	s29 =	sadd.s32 s7, s4;
	s13 =	sor.u32 s6, s5  }
0x8: {  	s8 =	sadd.s32 s30, s2;
	_ =	strace $0x80000047;
	s6 =	sshrl.u32 s13, $0x3  }
0x9: {  	s5 =	sor.u32 $0x1C01, s31;
	s7 =	sshrl.u32 s8, $0x3;
	s6 =	sadd.s32 s6, s4  }
0xa: {  	s8 =	simm.s32 $0x2;
	s4 =	sadd.s32 $0x2400, s29;
	s6 =	sadd.s32 $0x6400, s6  }
0xb: {  	[spmem:s7], [sflag:s5] =	dma.local [hbm:s4], $0x400  }
0xc: {  	[tilespmem:s3], [sflag:$0x2] =	stream.linear.gather [hbm4b:s6+s3], $0x40, $0x38;
	[tilespmem:$0x4080] =	vst v63  }
0xd: {  	_ =	swait.ge [sflag:s8], $0x40  }
0xe: {  	[sflag:s8] =	ssyncset.done $0x0  }
0xf: {  	s9 =	simm.s32 $0x1;
	[sflag:s8] =	ssyncadd.s32 $0xFFFFFFC0  }
0x10: {  	s14 =	ssub.s32 $0x2, s10;
	_ =	swait.ge [sflag:s9], $0x400  }
0x11: {  	s15 =	sshrl.u32 s14, $0x1;
	[sflag:s9] =	ssyncset.done $0x0  }
0x12: {  	s11 =	simm.s32 $0x80;
	s14 =	ssub.s32 s14, s15;
	[sflag:s9] =	ssyncadd.s32 $0xFFFFFC00  }
0x13: {  	s10 =	simm.s32 $0x40;
	s14 =	smax.u32 s14, $0x1;
	[bflag:$0x0] =	sbarrier.arrive $0xFFFF  }
0x14: {  	[tilespmem:s11], [sflag:$0x1] =	stream.indirect.gather [spmem:s2], $0x80, s3, s10, $0xb8;
	[tilespmem:$0x4080] =	vst v63  }
0x15: {  	p0 =	sne.s32 s14, $0x1;
	_ =	swait.ge [sflag:s9], $0x2000  }
.Ltmp0:
0x16: {  	s13 =	sshll.u32 s13, $0x4;
	[sflag:s9] =	ssyncset.done $0x0;
	(pc) =	sbr.rel @!p0 .LBB2_2-.Ltmp0, $4  }
0x17: {  	s12 =	sadd.s32 s12, s13;
	s13 =	simm.s32 $0x3;
	[sflag:s9] =	ssyncadd.s32 $0xFFFFE000  }
0x18: {  	[hbm4b:s12+s3] =	stream.linear.scatter [tilespmem:s11], [sflag:$0x3], $0x2000, $0x38;
	[tilespmem:$0x4080] =	vst v63  }
0x19: {  	_ =	swait.ge [sflag:s13], $0x2000  }
0x1a: {  	s14 =	sadd.s32 $0xFFFFFFFF, s14;
	[sflag:s13] =	ssyncset.done $0x0  }
.LBB2_1:
0x1b: {  	p0 =	sne.s32 s14, $0x1;
	s14 =	sadd.s32 $0xFFFFFFFF, s14;
	[sflag:s13] =	ssyncadd.s32 $0xFFFFE000  }
0x1c: {  	[spmem:s7], [sflag:s5] =	dma.local [hbm:s4], $0x400  }
0x1d: {  	[tilespmem:s3], [sflag:$0x2] =	stream.linear.gather [hbm4b:s6+s3], $0x40, $0x38;
	[tilespmem:$0x4080] =	vst v63  }
0x1e: {  	_ =	swait.ge [sflag:s8], $0x40  }
0x1f: {  	[sflag:s8] =	ssyncset.done $0x0  }
0x20: {  	[sflag:s8] =	ssyncadd.s32 $0xFFFFFFC0  }
0x21: {  	_ =	swait.ge [sflag:s9], $0x400  }
0x22: {  	[sflag:s9] =	ssyncset.done $0x0  }
0x23: {  	[sflag:s9] =	ssyncadd.s32 $0xFFFFFC00  }
0x24: {  	[bflag:$0x0] =	sbarrier.arrive $0xFFFF  }
0x25: {  	[tilespmem:s11], [sflag:$0x1] =	stream.indirect.gather [spmem:s2], $0x80, s3, s10, $0xb8;
	[tilespmem:$0x4080] =	vst v63  }
0x26: {  	_ =	swait.ge [sflag:s9], $0x2000  }
.Ltmp1:
0x27: {  	[sflag:s9] =	ssyncset.done $0x0;
	(pc) =	sbr.rel @p0 .LBB2_1-.Ltmp1, $4  }
0x28: {  	[sflag:s9] =	ssyncadd.s32 $0xFFFFE000  }
0x29: {  	[hbm4b:s12+s3] =	stream.linear.scatter [tilespmem:s11], [sflag:$0x3], $0x2000, $0x38;
	[tilespmem:$0x4080] =	vst v63  }
0x2a: {  	_ =	swait.ge [sflag:s13], $0x2000  }
0x2b: {  	[sflag:s13] =	ssyncset.done $0x0  }
.LBB2_2:
0x2c: {  	[sflag:s13] =	ssyncadd.s32 $0xFFFFE000  }
0x2d: {  	_ =	sfence.sel $0x180000  }
0x2e: {  	[bflag:$0x0] =	sbarrier.arrive $0xFFFF  }
0x2f: {  	p0 =	sne.s32 s1, $0x0;
	_ =	strace $0x90000047  }
0x30: {  	s0 =	sadd.s32 @!p0 $0x100000, s0;
	[bflag:$0x2] =	sbarrier.arrive $0xFFFF  }
0x31: {  	[sflag:s0] =	ssyncadd.tile.s32 @!p0 $0x1;
	_ =	shalt  }
.Lfunc_end2:
_tile_overlayer_lowered:
.L_overlay_start_2:
0x32: {  	(tag) =	ssettag $0x2  }
0x33: {  	s0 =	rddreg [dreg:$0x0];
	s2 =	stileid.u32  }
0x34: {  	s1 =	rddreg [dreg:$0x1];
	p0 =	sne.s32 s2, $0x0  }
0x35: {  	s3 =	rddreg [dreg:$0x2];
	[bflag:$0x3] =	sbarrier.arrive $0xFFFF;
	s2 =	simm.s32 @!p0 $0x1C03  }
0x36: {  	[timem:s3], [sflag:s2] =	dma.local @!p0 [hbm:s0], s1  }
0x37: {  	s0 =	simm.s32 @!p0 $0x3  }
0x38: {  	_ =	swait.ge @!p0 [sflag:s0], s1  }
0x39: {  	s1 =	ssub.s32 @!p0 $0x0, s1;
	[sflag:s0] =	ssyncset.done @!p0 $0x0  }
0x3a: {  	[sflag:s0] =	ssyncadd.s32 @!p0 s1  }
0x3b: {  	[bflag:$0x3] =	sbarrier.arrive $0xFFFF  }
0x3c: {  	_ =	shalt  }

</sc_bundles>
